<compile_context>
chip_gen: v7x
topology: tpu7x:2x2x1
jax: 0.10.2.dev20260603
libtpu: 0.0.44.dev20260713+nightly
codegen_flags: <defaults>
</compile_context>

<pallas_src>
import functools

import jax
import jax.numpy as jnp
from jax import lax
from jax.experimental import pallas as pl
from jax.experimental.pallas import tpu as pltpu
from jax.experimental.pallas import tpu_sc as plsc

N_CB = 4
K_CODES = 1024
D_EMB = 64
TILE_N = 2048
N_TOK = 4 * 4 * 32 * 32 * 4 // 4
ROWS = N_CB * N_TOK
NW = 32
CH = 512


def _tc_body(n_tokens, z_ref, embt2_ref, esq_ref,
             dist_ref, idx_ref, ppl_ref, counts, pacc):
    c = pl.program_id(0)
    b = pl.program_id(1)
    i = pl.program_id(2)
    nb = pl.num_programs(1)
    ni = pl.num_programs(2)

    z_blk = z_ref[0, 0]
    z_t = z_blk.T
    z_bf = z_t.astype(jnp.bfloat16)

    cross2 = jax.lax.dot_general(
        z_bf, embt2_ref[0], (((1,), (0,)), ((), ())),
        preferred_element_type=jnp.float32)
    z_sq = jnp.sum(z_t ** 2, axis=1, keepdims=True)
    dist = z_sq + cross2 + esq_ref[0]
    dist_ref[0] = dist

    dmin = jnp.min(dist, axis=1, keepdims=True)
    iota_nk = jax.lax.broadcasted_iota(jnp.int32, (TILE_N, K_CODES), 1)
    idx = jnp.min(jnp.where(dist == dmin, iota_nk, K_CODES), axis=1)
    idx_ref[0, 0, :] = idx + c * K_CODES

    oh_t = (jax.lax.broadcasted_iota(jnp.int32, (K_CODES, TILE_N), 0)
            == idx[None, :]).astype(jnp.float32)
    cnt = jnp.sum(oh_t, axis=1, keepdims=True)
    first = (b == 0) & (i == 0)
    counts[...] = jnp.where(first, cnt, counts[...] + cnt)

    @pl.when((c == 0) & first)
    def _init():
        pacc[0] = 0.0

    @pl.when((b == nb - 1) & (i == ni - 1))
    def _finish_codebook():
        avg = counts[...] * (1.0 / n_tokens)
        ent = jnp.sum(avg * jnp.log(avg + 1e-10))
        pacc[0] += jnp.exp(-ent)

        @pl.when(c == N_CB - 1)
        def _store_ppl():
            ppl_ref[...] = jnp.full((1, 1), pacc[0] * (1.0 / N_CB), jnp.float32)


_SC_MESH = plsc.VectorSubcoreMesh(core_axis_name="c", subcore_axis_name="s")


@functools.partial(
    pl.kernel, mesh=_SC_MESH,
    out_type=jax.ShapeDtypeStruct((ROWS, 128), jnp.float32),
    scratch_types=[
        pltpu.VMEM((CH,), jnp.int32),
        pltpu.VMEM((CH, 128), jnp.float32),
        pltpu.SemaphoreType.DMA,
    ],
)
def _sc_gather(table_hbm, idx_hbm, out_hbm, idx_v, rows_v, sem):
    wid = lax.axis_index("s") * 2 + lax.axis_index("c")
    rows_per_w = ROWS // NW
    base = wid * rows_per_w
    for j in range(rows_per_w // CH):
        off = base + j * CH
        pltpu.sync_copy(idx_hbm.at[pl.ds(off, CH)], idx_v)
        pltpu.async_copy(table_hbm.at[idx_v], rows_v, sem).wait()
        pltpu.sync_copy(rows_v, out_hbm.at[pl.ds(off, CH)])


def kernel(z, embeddings):
    B, C, t, h, w = z.shape
    nc, K, d = embeddings.shape
    T = t * h * w
    N = B * T
    nt = T // TILE_N

    zr = z.reshape(B, nc, d, T)
    embt = jnp.swapaxes(embeddings, 1, 2)
    embt2_bf = (embt * (-2.0)).astype(jnp.bfloat16)
    e_sq = jnp.transpose(
        jnp.sum(embeddings ** 2, axis=2, keepdims=True), (0, 2, 1))

    grid = (nc, B, nt)
    dist, idx3, ppl = pl.pallas_call(
        functools.partial(_tc_body, N),
        grid=grid,
        in_specs=[
            pl.BlockSpec((1, 1, d, TILE_N), lambda c, b, i: (b, c, 0, i)),
            pl.BlockSpec((1, d, K), lambda c, b, i: (c, 0, 0)),
            pl.BlockSpec((1, 1, K), lambda c, b, i: (c, 0, 0)),
        ],
        out_specs=[
            pl.BlockSpec((1, TILE_N, K), lambda c, b, i, _nt=nt: (c, b * _nt + i, 0)),
            pl.BlockSpec((1, 1, TILE_N),
                         lambda c, b, i, _nb=B, _nt=nt: ((c * _nb + b) * _nt + i, 0, 0)),
            pl.BlockSpec((1, 1), lambda c, b, i: (0, 0)),
        ],
        out_shape=[
            jax.ShapeDtypeStruct((nc, N, K), jnp.float32),
            jax.ShapeDtypeStruct((nc * B * nt, 1, TILE_N), jnp.int32),
            jax.ShapeDtypeStruct((1, 1), jnp.float32),
        ],
        scratch_shapes=[
            pltpu.VMEM((K, 1), jnp.float32),
            pltpu.SMEM((1,), jnp.float32),
        ],
        compiler_params=pltpu.CompilerParams(
            dimension_semantics=("arbitrary", "arbitrary", "arbitrary"),
        ),
    )(zr, embt2_bf, e_sq)

    table = jnp.pad(embeddings.reshape(nc * K, d), ((0, 0), (0, 128 - d)))
    idx_flat = idx3.reshape(ROWS)
    quant_rows = _sc_gather(table, idx_flat)[:, :d]
    quant_cm = jnp.transpose(
        quant_rows.reshape(nc, B, T, d), (1, 0, 3, 2)).reshape(B, C, t, h, w)
    quantized_st = z + (quant_cm - z)
    return quantized_st, dist, ppl[0, 0]

# --- scband reference (transcript-rebuilt; emitter-appended) ---
"""Pipeline reference for scband-cycle-quantize-38817914421257 (READ-ONLY COPY).

The authoritative reference and input builder live on the scoring server;
editing this copy changes nothing except your own understanding.
"""

import jax, jax.numpy as jnp
import numpy as np

N_CODEBOOKS = 4
CODES_PER_BOOK = 1024
EMBED_DIM = 64


def setup_inputs(seed: int = 0) -> dict:
    key = jax.random.key(seed)
    k1, k2 = jax.random.split(key)
    z = jax.random.normal(k1, (4, N_CODEBOOKS * EMBED_DIM, 4, 32, 32), dtype=jnp.float32)
    embeddings = jax.random.uniform(
        k2,
        (N_CODEBOOKS, CODES_PER_BOOK, EMBED_DIM),
        dtype=jnp.float32,
        minval=-1.0 / CODES_PER_BOOK,
        maxval=1.0 / CODES_PER_BOOK,
    )
    return {"z": z, "embeddings": embeddings}


def reference(z, embeddings):
    # Eval-mode forward of CycleQuantize (cycle_loss_type='hard').
    B = z.shape[0]
    spatial = z.shape[2:]
    n_codebooks, codes_per_book, d = embeddings.shape

    # shift_dim(z, 1, -1): (B, C, t, h, w) -> (B, t, h, w, C)
    zt = jnp.moveaxis(z, 1, -1)
    flat = zt.reshape(-1, n_codebooks, d)
    flat = jnp.transpose(flat, (1, 0, 2))  # (nc, N, d)

    z_sq = jnp.sum(flat ** 2, axis=2, keepdims=True)            # (nc, N, 1)
    e_sq = jnp.sum(embeddings ** 2, axis=2, keepdims=True)       # (nc, K, 1)
    cross = jnp.einsum("cnd,ckd->cnk", flat, embeddings)        # (nc, N, K)
    distances = z_sq - 2.0 * cross + jnp.transpose(e_sq, (0, 2, 1))  # (nc, N, K)

    encoding_indices = jnp.argmin(distances, axis=2)             # (nc, N)
    idx_reshaped = encoding_indices.reshape((n_codebooks, B) + spatial)

    # per-codebook embedding lookup, stacked on dim=-2, then flattened
    quant = jnp.stack(
        [jnp.take(embeddings[i], idx_reshaped[i], axis=0) for i in range(n_codebooks)],
        axis=-2,
    )  # (B, t, h, w, nc, d)
    quant = quant.reshape(quant.shape[:-2] + (-1,))              # (B, t, h, w, C)
    quant = jnp.moveaxis(quant, -1, 1)                           # (B, C, t, h, w)

    quantized_st = z + jax.lax.stop_gradient(quant - z)

    onehot = jax.nn.one_hot(encoding_indices, codes_per_book, dtype=jnp.float32)
    avg_probs = jnp.mean(onehot, axis=1)                         # (nc, K)
    perplexity = jnp.exp(-jnp.sum(avg_probs * jnp.log(avg_probs + 1e-10), axis=1))
    perplexity = jnp.mean(perplexity)

    return quantized_st, jax.lax.stop_gradient(distances), perplexity

if __name__ == "__main__":
    import jax
    _d = setup_inputs()
    print(jax.jit(kernel)(*tuple(_d.values())))

</pallas_src>

<mosaic_0001>
#map = affine_map<(d0, d1) -> (0, 0)>
#map1 = affine_map<(d0, d1) -> (0)>
module attributes {stable_mosaic.version = 14 : i64} {
  func.func @_sc_gather(%arg0: i32, %arg1: i32, %arg2: memref<4096x128xf32, #tpu.memory_space<hbm>>, %arg3: memref<65536xi32, #tpu.memory_space<hbm>>, %arg4: memref<65536x128xf32, #tpu.memory_space<hbm>>, %arg5: memref<512xi32, #tpu.memory_space<vmem>>, %arg6: memref<512x128xf32, #tpu.memory_space<vmem>>, %arg7: memref<!tpu.dma_semaphore, #tpu.memory_space<semaphore_mem>>) attributes {dimension_semantics = [#tpu.dimension_semantics<core_parallel>, #tpu.dimension_semantics<subcore_parallel>], iteration_bounds = array<i64: 2, 16>, scalar_prefetch = 0 : i64, scratch_operands = 3 : i64, tpu.core_type = #tpu.core_type<sc_vector_subcore>, window_params = [{transform_indices = #map}, {transform_indices = #map1}, {transform_indices = #map}]} {
    %mul3A = arith.constant 2 : i32
    %mul3A_0 = arith.muli %arg1, %mul3A : i32
    %add3A = arith.addi %mul3A_0, %arg0 : i32
    %mul3A_1 = arith.constant 2048 : i32
    %mul3A_2 = arith.muli %add3A, %mul3A_1 : i32
    %add3A_3 = arith.constant 0 : i32
    %add3A_4 = arith.addi %mul3A_2, %add3A_3 : i32
    "tpu.region"() ({
      %run_scoped3A = tpu.sem_alloc : memref<!tpu.dma_semaphore, #tpu.memory_space<semaphore_mem>>
      %dma_start3A_33 = tpu.memref_slice %arg3[%add3A_4] : memref<65536xi32, #tpu.memory_space<hbm>> -> memref<512xi32, #tpu.memory_space<hbm>>
      %dma_start3A_34 = tpu.memref_slice %arg3[%add3A_4] : memref<65536xi32, #tpu.memory_space<hbm>> -> memref<512xi32, #tpu.memory_space<hbm>>
      tpu.enqueue_dma source(%dma_start3A_34 : memref<512xi32, #tpu.memory_space<hbm>>) target(%arg5 : memref<512xi32, #tpu.memory_space<vmem>>) target_semaphore(%run_scoped3A : memref<!tpu.dma_semaphore, #tpu.memory_space<semaphore_mem>>)
      %dma_wait3A_35 = tpu.memref_slice %arg3[%add3A_4] : memref<65536xi32, #tpu.memory_space<hbm>> -> memref<512xi32, #tpu.memory_space<hbm>>
      %dma_wait3A_36 = tpu.memref_slice %arg3[%add3A_4] : memref<65536xi32, #tpu.memory_space<hbm>> -> memref<512xi32, #tpu.memory_space<hbm>>
      tpu.wait_dma2 semaphore(%run_scoped3A : memref<!tpu.dma_semaphore, #tpu.memory_space<semaphore_mem>>) src(%dma_wait3A_36 : memref<512xi32, #tpu.memory_space<hbm>>) dst(%arg5 : memref<512xi32, #tpu.memory_space<vmem>>)
      tpu.yield
    }) : () -> ()
    %dma_start3A = arith.constant 0 : i32
    %dma_start3A_5 = arith.constant 0 : i32
    %dma_start3A_6 = tpu.memref_slice %arg2[%dma_start3A, %dma_start3A_5] : memref<4096x128xf32, #tpu.memory_space<hbm>> -> memref<4096x128xf32, #tpu.memory_space<hbm>>
    tpu.enqueue_indirect_dma source(%dma_start3A_6 : memref<4096x128xf32, #tpu.memory_space<hbm>>) target(%arg6 : memref<512x128xf32, #tpu.memory_space<vmem>>) offsets(%arg5 : memref<512xi32, #tpu.memory_space<vmem>>) semaphore(%arg7 : memref<!tpu.dma_semaphore, #tpu.memory_space<semaphore_mem>>)
    %dma_wait3A = arith.constant 0 : i32
    %dma_wait3A_7 = arith.constant 0 : i32
    %dma_wait3A_8 = tpu.memref_slice %arg2[%dma_wait3A, %dma_wait3A_7] : memref<4096x128xf32, #tpu.memory_space<hbm>> -> memref<4096x128xf32, #tpu.memory_space<hbm>>
    tpu.wait_indirect_dma semaphore(%arg7 : memref<!tpu.dma_semaphore, #tpu.memory_space<semaphore_mem>>) src(%dma_wait3A_8 : memref<4096x128xf32, #tpu.memory_space<hbm>>) dst(%arg6 : memref<512x128xf32, #tpu.memory_space<vmem>>)
    "tpu.region"() ({
      %run_scoped3A = tpu.sem_alloc : memref<!tpu.dma_semaphore, #tpu.memory_space<semaphore_mem>>
      %dma_start3A_33 = arith.constant 0 : i32
      %dma_start3A_34 = tpu.memref_slice %arg4[%add3A_4, %dma_start3A_33] : memref<65536x128xf32, #tpu.memory_space<hbm>> -> memref<512x128xf32, #tpu.memory_space<hbm>>
      %dma_start3A_35 = arith.constant 0 : i32
      %dma_start3A_36 = tpu.memref_slice %arg4[%add3A_4, %dma_start3A_35] : memref<65536x128xf32, #tpu.memory_space<hbm>> -> memref<512x128xf32, #tpu.memory_space<hbm>>
      tpu.enqueue_dma source(%arg6 : memref<512x128xf32, #tpu.memory_space<vmem>>) target(%dma_start3A_36 : memref<512x128xf32, #tpu.memory_space<hbm>>) target_semaphore(%run_scoped3A : memref<!tpu.dma_semaphore, #tpu.memory_space<semaphore_mem>>)
      %dma_wait3A_37 = arith.constant 0 : i32
      %dma_wait3A_38 = tpu.memref_slice %arg4[%add3A_4, %dma_wait3A_37] : memref<65536x128xf32, #tpu.memory_space<hbm>> -> memref<512x128xf32, #tpu.memory_space<hbm>>
      %dma_wait3A_39 = arith.constant 0 : i32
      %dma_wait3A_40 = tpu.memref_slice %arg4[%add3A_4, %dma_wait3A_39] : memref<65536x128xf32, #tpu.memory_space<hbm>> -> memref<512x128xf32, #tpu.memory_space<hbm>>
      tpu.wait_dma2 semaphore(%run_scoped3A : memref<!tpu.dma_semaphore, #tpu.memory_space<semaphore_mem>>) src(%arg6 : memref<512x128xf32, #tpu.memory_space<vmem>>) dst(%dma_wait3A_40 : memref<512x128xf32, #tpu.memory_space<hbm>>)
      tpu.yield
    }) : () -> ()
    %add3A_9 = arith.constant 512 : i32
    %add3A_10 = arith.addi %mul3A_2, %add3A_9 : i32
    "tpu.region"() ({
      %run_scoped3A = tpu.sem_alloc : memref<!tpu.dma_semaphore, #tpu.memory_space<semaphore_mem>>
      %dma_start3A_33 = tpu.memref_slice %arg3[%add3A_10] : memref<65536xi32, #tpu.memory_space<hbm>> -> memref<512xi32, #tpu.memory_space<hbm>>
      %dma_start3A_34 = tpu.memref_slice %arg3[%add3A_10] : memref<65536xi32, #tpu.memory_space<hbm>> -> memref<512xi32, #tpu.memory_space<hbm>>
      tpu.enqueue_dma source(%dma_start3A_34 : memref<512xi32, #tpu.memory_space<hbm>>) target(%arg5 : memref<512xi32, #tpu.memory_space<vmem>>) target_semaphore(%run_scoped3A : memref<!tpu.dma_semaphore, #tpu.memory_space<semaphore_mem>>)
      %dma_wait3A_35 = tpu.memref_slice %arg3[%add3A_10] : memref<65536xi32, #tpu.memory_space<hbm>> -> memref<512xi32, #tpu.memory_space<hbm>>
      %dma_wait3A_36 = tpu.memref_slice %arg3[%add3A_10] : memref<65536xi32, #tpu.memory_space<hbm>> -> memref<512xi32, #tpu.memory_space<hbm>>
      tpu.wait_dma2 semaphore(%run_scoped3A : memref<!tpu.dma_semaphore, #tpu.memory_space<semaphore_mem>>) src(%dma_wait3A_36 : memref<512xi32, #tpu.memory_space<hbm>>) dst(%arg5 : memref<512xi32, #tpu.memory_space<vmem>>)
      tpu.yield
    }) : () -> ()
    %dma_start3A_11 = arith.constant 0 : i32
    %dma_start3A_12 = arith.constant 0 : i32
    %dma_start3A_13 = tpu.memref_slice %arg2[%dma_start3A_11, %dma_start3A_12] : memref<4096x128xf32, #tpu.memory_space<hbm>> -> memref<4096x128xf32, #tpu.memory_space<hbm>>
    tpu.enqueue_indirect_dma source(%dma_start3A_13 : memref<4096x128xf32, #tpu.memory_space<hbm>>) target(%arg6 : memref<512x128xf32, #tpu.memory_space<vmem>>) offsets(%arg5 : memref<512xi32, #tpu.memory_space<vmem>>) semaphore(%arg7 : memref<!tpu.dma_semaphore, #tpu.memory_space<semaphore_mem>>)
    %dma_wait3A_14 = arith.constant 0 : i32
    %dma_wait3A_15 = arith.constant 0 : i32
    %dma_wait3A_16 = tpu.memref_slice %arg2[%dma_wait3A_14, %dma_wait3A_15] : memref<4096x128xf32, #tpu.memory_space<hbm>> -> memref<4096x128xf32, #tpu.memory_space<hbm>>
    tpu.wait_indirect_dma semaphore(%arg7 : memref<!tpu.dma_semaphore, #tpu.memory_space<semaphore_mem>>) src(%dma_wait3A_16 : memref<4096x128xf32, #tpu.memory_space<hbm>>) dst(%arg6 : memref<512x128xf32, #tpu.memory_space<vmem>>)
    "tpu.region"() ({
      %run_scoped3A = tpu.sem_alloc : memref<!tpu.dma_semaphore, #tpu.memory_space<semaphore_mem>>
      %dma_start3A_33 = arith.constant 0 : i32
      %dma_start3A_34 = tpu.memref_slice %arg4[%add3A_10, %dma_start3A_33] : memref<65536x128xf32, #tpu.memory_space<hbm>> -> memref<512x128xf32, #tpu.memory_space<hbm>>
      %dma_start3A_35 = arith.constant 0 : i32
      %dma_start3A_36 = tpu.memref_slice %arg4[%add3A_10, %dma_start3A_35] : memref<65536x128xf32, #tpu.memory_space<hbm>> -> memref<512x128xf32, #tpu.memory_space<hbm>>
      tpu.enqueue_dma source(%arg6 : memref<512x128xf32, #tpu.memory_space<vmem>>) target(%dma_start3A_36 : memref<512x128xf32, #tpu.memory_space<hbm>>) target_semaphore(%run_scoped3A : memref<!tpu.dma_semaphore, #tpu.memory_space<semaphore_mem>>)
      %dma_wait3A_37 = arith.constant 0 : i32
      %dma_wait3A_38 = tpu.memref_slice %arg4[%add3A_10, %dma_wait3A_37] : memref<65536x128xf32, #tpu.memory_space<hbm>> -> memref<512x128xf32, #tpu.memory_space<hbm>>
      %dma_wait3A_39 = arith.constant 0 : i32
      %dma_wait3A_40 = tpu.memref_slice %arg4[%add3A_10, %dma_wait3A_39] : memref<65536x128xf32, #tpu.memory_space<hbm>> -> memref<512x128xf32, #tpu.memory_space<hbm>>
      tpu.wait_dma2 semaphore(%run_scoped3A : memref<!tpu.dma_semaphore, #tpu.memory_space<semaphore_mem>>) src(%arg6 : memref<512x128xf32, #tpu.memory_space<vmem>>) dst(%dma_wait3A_40 : memref<512x128xf32, #tpu.memory_space<hbm>>)
      tpu.yield
    }) : () -> ()
    %add3A_17 = arith.constant 1024 : i32
    %add3A_18 = arith.addi %mul3A_2, %add3A_17 : i32
    "tpu.region"() ({
      %run_scoped3A = tpu.sem_alloc : memref<!tpu.dma_semaphore, #tpu.memory_space<semaphore_mem>>
      %dma_start3A_33 = tpu.memref_slice %arg3[%add3A_18] : memref<65536xi32, #tpu.memory_space<hbm>> -> memref<512xi32, #tpu.memory_space<hbm>>
      %dma_start3A_34 = tpu.memref_slice %arg3[%add3A_18] : memref<65536xi32, #tpu.memory_space<hbm>> -> memref<512xi32, #tpu.memory_space<hbm>>
      tpu.enqueue_dma source(%dma_start3A_34 : memref<512xi32, #tpu.memory_space<hbm>>) target(%arg5 : memref<512xi32, #tpu.memory_space<vmem>>) target_semaphore(%run_scoped3A : memref<!tpu.dma_semaphore, #tpu.memory_space<semaphore_mem>>)
      %dma_wait3A_35 = tpu.memref_slice %arg3[%add3A_18] : memref<65536xi32, #tpu.memory_space<hbm>> -> memref<512xi32, #tpu.memory_space<hbm>>
      %dma_wait3A_36 = tpu.memref_slice %arg3[%add3A_18] : memref<65536xi32, #tpu.memory_space<hbm>> -> memref<512xi32, #tpu.memory_space<hbm>>
      tpu.wait_dma2 semaphore(%run_scoped3A : memref<!tpu.dma_semaphore, #tpu.memory_space<semaphore_mem>>) src(%dma_wait3A_36 : memref<512xi32, #tpu.memory_space<hbm>>) dst(%arg5 : memref<512xi32, #tpu.memory_space<vmem>>)
      tpu.yield
    }) : () -> ()
    %dma_start3A_19 = arith.constant 0 : i32
    %dma_start3A_20 = arith.constant 0 : i32
    %dma_start3A_21 = tpu.memref_slice %arg2[%dma_start3A_19, %dma_start3A_20] : memref<4096x128xf32, #tpu.memory_space<hbm>> -> memref<4096x128xf32, #tpu.memory_space<hbm>>
    tpu.enqueue_indirect_dma source(%dma_start3A_21 : memref<4096x128xf32, #tpu.memory_space<hbm>>) target(%arg6 : memref<512x128xf32, #tpu.memory_space<vmem>>) offsets(%arg5 : memref<512xi32, #tpu.memory_space<vmem>>) semaphore(%arg7 : memref<!tpu.dma_semaphore, #tpu.memory_space<semaphore_mem>>)
    %dma_wait3A_22 = arith.constant 0 : i32
    %dma_wait3A_23 = arith.constant 0 : i32
    %dma_wait3A_24 = tpu.memref_slice %arg2[%dma_wait3A_22, %dma_wait3A_23] : memref<4096x128xf32, #tpu.memory_space<hbm>> -> memref<4096x128xf32, #tpu.memory_space<hbm>>
    tpu.wait_indirect_dma semaphore(%arg7 : memref<!tpu.dma_semaphore, #tpu.memory_space<semaphore_mem>>) src(%dma_wait3A_24 : memref<4096x128xf32, #tpu.memory_space<hbm>>) dst(%arg6 : memref<512x128xf32, #tpu.memory_space<vmem>>)
    "tpu.region"() ({
      %run_scoped3A = tpu.sem_alloc : memref<!tpu.dma_semaphore, #tpu.memory_space<semaphore_mem>>
      %dma_start3A_33 = arith.constant 0 : i32
      %dma_start3A_34 = tpu.memref_slice %arg4[%add3A_18, %dma_start3A_33] : memref<65536x128xf32, #tpu.memory_space<hbm>> -> memref<512x128xf32, #tpu.memory_space<hbm>>
      %dma_start3A_35 = arith.constant 0 : i32
      %dma_start3A_36 = tpu.memref_slice %arg4[%add3A_18, %dma_start3A_35] : memref<65536x128xf32, #tpu.memory_space<hbm>> -> memref<512x128xf32, #tpu.memory_space<hbm>>
      tpu.enqueue_dma source(%arg6 : memref<512x128xf32, #tpu.memory_space<vmem>>) target(%dma_start3A_36 : memref<512x128xf32, #tpu.memory_space<hbm>>) target_semaphore(%run_scoped3A : memref<!tpu.dma_semaphore, #tpu.memory_space<semaphore_mem>>)
      %dma_wait3A_37 = arith.constant 0 : i32
      %dma_wait3A_38 = tpu.memref_slice %arg4[%add3A_18, %dma_wait3A_37] : memref<65536x128xf32, #tpu.memory_space<hbm>> -> memref<512x128xf32, #tpu.memory_space<hbm>>
      %dma_wait3A_39 = arith.constant 0 : i32
      %dma_wait3A_40 = tpu.memref_slice %arg4[%add3A_18, %dma_wait3A_39] : memref<65536x128xf32, #tpu.memory_space<hbm>> -> memref<512x128xf32, #tpu.memory_space<hbm>>
      tpu.wait_dma2 semaphore(%run_scoped3A : memref<!tpu.dma_semaphore, #tpu.memory_space<semaphore_mem>>) src(%arg6 : memref<512x128xf32, #tpu.memory_space<vmem>>) dst(%dma_wait3A_40 : memref<512x128xf32, #tpu.memory_space<hbm>>)
      tpu.yield
    }) : () -> ()
    %add3A_25 = arith.constant 1536 : i32
    %add3A_26 = arith.addi %mul3A_2, %add3A_25 : i32
    "tpu.region"() ({
      %run_scoped3A = tpu.sem_alloc : memref<!tpu.dma_semaphore, #tpu.memory_space<semaphore_mem>>
      %dma_start3A_33 = tpu.memref_slice %arg3[%add3A_26] : memref<65536xi32, #tpu.memory_space<hbm>> -> memref<512xi32, #tpu.memory_space<hbm>>
      %dma_start3A_34 = tpu.memref_slice %arg3[%add3A_26] : memref<65536xi32, #tpu.memory_space<hbm>> -> memref<512xi32, #tpu.memory_space<hbm>>
      tpu.enqueue_dma source(%dma_start3A_34 : memref<512xi32, #tpu.memory_space<hbm>>) target(%arg5 : memref<512xi32, #tpu.memory_space<vmem>>) target_semaphore(%run_scoped3A : memref<!tpu.dma_semaphore, #tpu.memory_space<semaphore_mem>>)
      %dma_wait3A_35 = tpu.memref_slice %arg3[%add3A_26] : memref<65536xi32, #tpu.memory_space<hbm>> -> memref<512xi32, #tpu.memory_space<hbm>>
      %dma_wait3A_36 = tpu.memref_slice %arg3[%add3A_26] : memref<65536xi32, #tpu.memory_space<hbm>> -> memref<512xi32, #tpu.memory_space<hbm>>
      tpu.wait_dma2 semaphore(%run_scoped3A : memref<!tpu.dma_semaphore, #tpu.memory_space<semaphore_mem>>) src(%dma_wait3A_36 : memref<512xi32, #tpu.memory_space<hbm>>) dst(%arg5 : memref<512xi32, #tpu.memory_space<vmem>>)
      tpu.yield
    }) : () -> ()
    %dma_start3A_27 = arith.constant 0 : i32
    %dma_start3A_28 = arith.constant 0 : i32
    %dma_start3A_29 = tpu.memref_slice %arg2[%dma_start3A_27, %dma_start3A_28] : memref<4096x128xf32, #tpu.memory_space<hbm>> -> memref<4096x128xf32, #tpu.memory_space<hbm>>
    tpu.enqueue_indirect_dma source(%dma_start3A_29 : memref<4096x128xf32, #tpu.memory_space<hbm>>) target(%arg6 : memref<512x128xf32, #tpu.memory_space<vmem>>) offsets(%arg5 : memref<512xi32, #tpu.memory_space<vmem>>) semaphore(%arg7 : memref<!tpu.dma_semaphore, #tpu.memory_space<semaphore_mem>>)
    %dma_wait3A_30 = arith.constant 0 : i32
    %dma_wait3A_31 = arith.constant 0 : i32
    %dma_wait3A_32 = tpu.memref_slice %arg2[%dma_wait3A_30, %dma_wait3A_31] : memref<4096x128xf32, #tpu.memory_space<hbm>> -> memref<4096x128xf32, #tpu.memory_space<hbm>>
    tpu.wait_indirect_dma semaphore(%arg7 : memref<!tpu.dma_semaphore, #tpu.memory_space<semaphore_mem>>) src(%dma_wait3A_32 : memref<4096x128xf32, #tpu.memory_space<hbm>>) dst(%arg6 : memref<512x128xf32, #tpu.memory_space<vmem>>)
    "tpu.region"() ({
      %run_scoped3A = tpu.sem_alloc : memref<!tpu.dma_semaphore, #tpu.memory_space<semaphore_mem>>
      %dma_start3A_33 = arith.constant 0 : i32
      %dma_start3A_34 = tpu.memref_slice %arg4[%add3A_26, %dma_start3A_33] : memref<65536x128xf32, #tpu.memory_space<hbm>> -> memref<512x128xf32, #tpu.memory_space<hbm>>
      %dma_start3A_35 = arith.constant 0 : i32
      %dma_start3A_36 = tpu.memref_slice %arg4[%add3A_26, %dma_start3A_35] : memref<65536x128xf32, #tpu.memory_space<hbm>> -> memref<512x128xf32, #tpu.memory_space<hbm>>
      tpu.enqueue_dma source(%arg6 : memref<512x128xf32, #tpu.memory_space<vmem>>) target(%dma_start3A_36 : memref<512x128xf32, #tpu.memory_space<hbm>>) target_semaphore(%run_scoped3A : memref<!tpu.dma_semaphore, #tpu.memory_space<semaphore_mem>>)
      %dma_wait3A_37 = arith.constant 0 : i32
      %dma_wait3A_38 = tpu.memref_slice %arg4[%add3A_26, %dma_wait3A_37] : memref<65536x128xf32, #tpu.memory_space<hbm>> -> memref<512x128xf32, #tpu.memory_space<hbm>>
      %dma_wait3A_39 = arith.constant 0 : i32
      %dma_wait3A_40 = tpu.memref_slice %arg4[%add3A_26, %dma_wait3A_39] : memref<65536x128xf32, #tpu.memory_space<hbm>> -> memref<512x128xf32, #tpu.memory_space<hbm>>
      tpu.wait_dma2 semaphore(%run_scoped3A : memref<!tpu.dma_semaphore, #tpu.memory_space<semaphore_mem>>) src(%arg6 : memref<512x128xf32, #tpu.memory_space<vmem>>) dst(%dma_wait3A_40 : memref<512x128xf32, #tpu.memory_space<hbm>>)
      tpu.yield
    }) : () -> ()
    return
  }
}

module attributes {stable_mosaic.version = 14 : i64} {
  func.func @_tc_body(%arg0: i32, %arg1: i32, %arg2: i32, %arg3: memref<1x1x64x2048xf32, #tpu.memory_space<vmem>>, %arg4: memref<1x64x1024xbf16, #tpu.memory_space<vmem>>, %arg5: memref<1x1x1024xf32, #tpu.memory_space<vmem>>, %arg6: memref<1x2048x1024xf32, #tpu.memory_space<vmem>>, %arg7: memref<1x1x2048xi32, #tpu.memory_space<vmem>>, %arg8: memref<1x1xf32, #tpu.memory_space<vmem>>, %arg9: memref<1024x1xf32, #tpu.memory_space<vmem>>, %arg10: memref<1xf32, #tpu.memory_space<smem>>) attributes {dimension_semantics = [#tpu.dimension_semantics<arbitrary>, #tpu.dimension_semantics<arbitrary>, #tpu.dimension_semantics<arbitrary>], iteration_bounds = array<i64: 4, 4, 2>, scalar_prefetch = 0 : i64, scratch_operands = 2 : i64, tpu.core_type = #tpu.core_type<tc>, window_params = [{transform_indices = @transform_0, window_bounds = array<i64: 1, 1, 64, 2048>}, {transform_indices = @transform_1, window_bounds = array<i64: 1, 64, 1024>}, {transform_indices = @transform_2, window_bounds = array<i64: 1, 1, 1024>}, {transform_indices = @transform_3, window_bounds = array<i64: 1, 2048, 1024>}, {transform_indices = @transform_4, window_bounds = array<i64: 1, 1, 2048>}, {pipeline_mode = #tpu.pipeline_mode<synchronous>, transform_indices = @transform_5, window_bounds = array<i64: 1, 1>}]} {
    %get3A = arith.constant 0 : index
    %get3A_0 = arith.constant 0 : index
    %get3A_1 = arith.constant 0 : index
    %get3A_2 = arith.constant 0 : index
    %get3A_3 = vector.load %arg3[%get3A, %get3A_0, %get3A_1, %get3A_2] : memref<1x1x64x2048xf32, #tpu.memory_space<vmem>>, vector<1x1x64x2048xf32>
    %get3A_4 = vector.shape_cast %get3A_3 : vector<1x1x64x2048xf32> to vector<64x2048xf32>
    %transpose3A = tpu.transpose %get3A_4, [1, 0] : vector<64x2048xf32> -> vector<2048x64xf32>
    %convert_element_type3A = arith.truncf %transpose3A : vector<2048x64xf32> to vector<2048x64xbf16>
    %get3A_5 = arith.constant 0 : index
    %get3A_6 = arith.constant 0 : index
    %get3A_7 = arith.constant 0 : index
    %get3A_8 = vector.load %arg4[%get3A_5, %get3A_6, %get3A_7] : memref<1x64x1024xbf16, #tpu.memory_space<vmem>>, vector<1x64x1024xbf16>
    %get3A_9 = vector.shape_cast %get3A_8 : vector<1x64x1024xbf16> to vector<64x1024xbf16>
    %dot_general3A = arith.constant dense<0.000000e+00> : vector<2048x1024xf32>
    %dot_general3A_10 = tpu.matmul %convert_element_type3A, %get3A_9, %dot_general3A {dimension_numbers = #tpu.dot_dimension_numbers<[1], [0], [0], [1], [0, 0, 1, 1], [], []>, transpose_lhs_hint = false} : vector<2048x64xbf16>, vector<64x1024xbf16>, vector<2048x1024xf32> -> vector<2048x1024xf32>
    %integer_pow3A = arith.mulf %transpose3A, %transpose3A : vector<2048x64xf32>
    %reduce_sum3A = arith.constant dense<0.000000e+00> : vector<2048xf32>
    %reduce_sum3A_11 = vector.multi_reduction <add>, %integer_pow3A, %reduce_sum3A [1] : vector<2048x64xf32> to vector<2048xf32>
    %broadcast_in_dim3A = vector.shape_cast %reduce_sum3A_11 : vector<2048xf32> to vector<2048x1xf32>
    %add3A = vector.broadcast %broadcast_in_dim3A : vector<2048x1xf32> to vector<2048x1024xf32>
    %add3A_12 = arith.addf %add3A, %dot_general3A_10 : vector<2048x1024xf32>
    %get3A_13 = arith.constant 0 : index
    %get3A_14 = arith.constant 0 : index
    %get3A_15 = arith.constant 0 : index
    %get3A_16 = vector.load %arg5[%get3A_13, %get3A_14, %get3A_15] : memref<1x1x1024xf32, #tpu.memory_space<vmem>>, vector<1x1x1024xf32>
    %get3A_17 = vector.shape_cast %get3A_16 : vector<1x1x1024xf32> to vector<1x1024xf32>
    %add3A_18 = vector.broadcast %get3A_17 : vector<1x1024xf32> to vector<2048x1024xf32>
    %add3A_19 = arith.addf %add3A_12, %add3A_18 : vector<2048x1024xf32>
    %swap3A = arith.constant 0 : index
    %swap3A_20 = arith.constant 0 : index
    %swap3A_21 = arith.constant 0 : index
    %swap3A_22 = vector.load %arg6[%swap3A, %swap3A_20, %swap3A_21] : memref<1x2048x1024xf32, #tpu.memory_space<vmem>>, vector<1x2048x1024xf32>
    %swap3A_23 = vector.shape_cast %swap3A_22 : vector<1x2048x1024xf32> to vector<2048x1024xf32>
    %swap3A_24 = vector.shape_cast %add3A_19 : vector<2048x1024xf32> to vector<1x2048x1024xf32>
    tpu.vector_store %arg6[%swap3A, %swap3A_20, %swap3A_21], %swap3A_24 {strides = array<i32>} : memref<1x2048x1024xf32, #tpu.memory_space<vmem>>, vector<1x2048x1024xf32>,
    %reduce_min3A = arith.constant dense<0x7F800000> : vector<2048xf32>
    %reduce_min3A_25 = vector.multi_reduction <minimumf>, %add3A_19, %reduce_min3A [1] : vector<2048x1024xf32> to vector<2048xf32>
    %broadcast_in_dim3A_26 = vector.shape_cast %reduce_min3A_25 : vector<2048xf32> to vector<2048x1xf32>
    %iota3A = tpu.iota {dimensions = array<i32: 1>} : vector<2048x1024xi32>
    %eq3A = vector.broadcast %broadcast_in_dim3A_26 : vector<2048x1xf32> to vector<2048x1024xf32>
    %eq3A_27 = arith.cmpf oeq, %add3A_19, %eq3A : vector<2048x1024xf32>
    %jit3A = arith.constant 1024 : i32
    %broadcast_in_dim3A_28 = vector.broadcast %jit3A : i32 to vector<2048x1024xi32>
    %select_n3A = arith.select %eq3A_27, %iota3A, %broadcast_in_dim3A_28 : vector<2048x1024xi1>, vector<2048x1024xi32>
    %reduce_min3A_29 = arith.constant dense<2147483647> : vector<2048xi32>
    %reduce_min3A_30 = vector.multi_reduction <minsi>, %select_n3A, %reduce_min3A_29 [1] : vector<2048x1024xi32> to vector<2048xi32>
    %mul3A = arith.constant 1024 : i32
    %mul3A_31 = arith.muli %arg0, %mul3A : i32
    %add3A_32 = vector.broadcast %mul3A_31 : i32 to vector<2048xi32>
    %add3A_33 = arith.addi %reduce_min3A_30, %add3A_32 : vector<2048xi32>
    %swap3A_34 = arith.constant 0 : index
    %swap3A_35 = arith.constant 0 : index
    %swap3A_36 = arith.constant 0 : index
    %swap3A_37 = vector.load %arg7[%swap3A_34, %swap3A_35, %swap3A_36] : memref<1x1x2048xi32, #tpu.memory_space<vmem>>, vector<1x1x2048xi32>
    %swap3A_38 = vector.shape_cast %swap3A_37 : vector<1x1x2048xi32> to vector<2048xi32>
    %swap3A_39 = vector.shape_cast %add3A_33 : vector<2048xi32> to vector<1x1x2048xi32>
    tpu.vector_store %arg7[%swap3A_34, %swap3A_35, %swap3A_36], %swap3A_39 {strides = array<i32>} : memref<1x1x2048xi32, #tpu.memory_space<vmem>>, vector<1x1x2048xi32>,
    %iota3A_40 = tpu.iota {dimensions = array<i32: 0>} : vector<1024x2048xi32>
    %broadcast_in_dim3A_41 = vector.shape_cast %reduce_min3A_30 : vector<2048xi32> to vector<1x2048xi32>
    %eq3A_42 = vector.broadcast %broadcast_in_dim3A_41 : vector<1x2048xi32> to vector<1024x2048xi32>
    %eq3A_43 = arith.cmpi eq, %iota3A_40, %eq3A_42 : vector<1024x2048xi32>
    %convert_element_type3A_44 = arith.extui %eq3A_43 : vector<1024x2048xi1> to vector<1024x2048xi32>
    %convert_element_type3A_45 = arith.sitofp %convert_element_type3A_44 : vector<1024x2048xi32> to vector<1024x2048xf32>
    %reduce_sum3A_46 = arith.constant dense<0.000000e+00> : vector<1024xf32>
    %reduce_sum3A_47 = vector.multi_reduction <add>, %convert_element_type3A_45, %reduce_sum3A_46 [1] : vector<1024x2048xf32> to vector<1024xf32>
    %broadcast_in_dim3A_48 = vector.shape_cast %reduce_sum3A_47 : vector<1024xf32> to vector<1024x1xf32>
    %eq3A_49 = arith.constant 0 : i32
    %eq3A_50 = arith.cmpi eq, %arg1, %eq3A_49 : i32
    %eq3A_51 = arith.constant 0 : i32
    %eq3A_52 = arith.cmpi eq, %arg2, %eq3A_51 : i32
    %and3A = arith.andi %eq3A_50, %eq3A_52 : i1
    %get3A_53 = arith.constant 0 : index
    %get3A_54 = arith.constant 0 : index
    %get3A_55 = vector.load %arg9[%get3A_53, %get3A_54] : memref<1024x1xf32, #tpu.memory_space<vmem>>, vector<1024x1xf32>
    %add3A_56 = arith.addf %get3A_55, %broadcast_in_dim3A_48 : vector<1024x1xf32>
    %select_n3A_57 = arith.select %and3A, %broadcast_in_dim3A_48, %add3A_56 : vector<1024x1xf32>
    %swap3A_58 = arith.constant 0 : index
    %swap3A_59 = arith.constant 0 : index
    %swap3A_60 = vector.load %arg9[%swap3A_58, %swap3A_59] : memref<1024x1xf32, #tpu.memory_space<vmem>>, vector<1024x1xf32>
    tpu.vector_store %arg9[%swap3A_58, %swap3A_59], %select_n3A_57 {strides = array<i32>} : memref<1024x1xf32, #tpu.memory_space<vmem>>, vector<1024x1xf32>,
    %eq3A_61 = arith.constant 0 : i32
    %eq3A_62 = arith.cmpi eq, %arg0, %eq3A_61 : i32
    %and3A_63 = arith.andi %eq3A_62, %and3A : i1
    %convert_element_type3A_64 = arith.extui %and3A_63 : i1 to i32
    %cond3A = arith.constant 0 : i32
    %cond3A_65 = arith.cmpi ne, %convert_element_type3A_64, %cond3A : i32
    scf.if %cond3A_65 {
      %swap3A_74 = arith.constant 0.000000e+00 : f32
      %swap3A_75 = arith.constant 0 : index
      %swap3A_76 = memref.load %arg10[%swap3A_75] : memref<1xf32, #tpu.memory_space<smem>>
      memref.store %swap3A_74, %arg10[%swap3A_75] : memref<1xf32, #tpu.memory_space<smem>>
    } else {
    }
    %eq3A_66 = arith.constant 3 : i32
    %eq3A_67 = arith.cmpi eq, %arg1, %eq3A_66 : i32
    %eq3A_68 = arith.constant 1 : i32
    %eq3A_69 = arith.cmpi eq, %arg2, %eq3A_68 : i32
    %and3A_70 = arith.andi %eq3A_67, %eq3A_69 : i1
    %convert_element_type3A_71 = arith.extui %and3A_70 : i1 to i32
    %cond3A_72 = arith.constant 0 : i32
    %cond3A_73 = arith.cmpi ne, %convert_element_type3A_71, %cond3A_72 : i32
    scf.if %cond3A_73 {
      %get3A_74 = arith.constant 0 : index
      %get3A_75 = arith.constant 0 : index
      %get3A_76 = vector.load %arg9[%get3A_74, %get3A_75] : memref<1024x1xf32, #tpu.memory_space<vmem>>, vector<1024x1xf32>
      %mul3A_77 = arith.constant 6.10351563E-5 : f32
      %mul3A_78 = vector.broadcast %mul3A_77 : f32 to vector<1024x1xf32>
      %mul3A_79 = arith.mulf %get3A_76, %mul3A_78 : vector<1024x1xf32>
      %add3A_80 = arith.constant 1.000000e-10 : f32
      %add3A_81 = vector.broadcast %add3A_80 : f32 to vector<1024x1xf32>
      %add3A_82 = arith.addf %mul3A_79, %add3A_81 : vector<1024x1xf32>
      %log3A = math.log %add3A_82 : vector<1024x1xf32>
      %mul3A_83 = arith.mulf %mul3A_79, %log3A : vector<1024x1xf32>
      %reduce_sum3A_84 = vector.shape_cast %mul3A_83 : vector<1024x1xf32> to vector<1x1024x1xf32>
      %reduce_sum3A_85 = arith.constant dense<0.000000e+00> : vector<1xf32>
      %reduce_sum3A_86 = vector.multi_reduction <add>, %reduce_sum3A_84, %reduce_sum3A_85 [1, 2] : vector<1x1024x1xf32> to vector<1xf32>
      %reduce_sum3A_87 = vector.shape_cast %reduce_sum3A_86 : vector<1xf32> to vector<1x1x1xf32>
      %reduce_sum3A_88 = vector.extract %reduce_sum3A_87[0, 0, 0] : f32 from vector<1x1x1xf32>
      %get3A_89 = arith.constant 0 : index
      %get3A_90 = memref.load %arg10[%get3A_89] : memref<1xf32, #tpu.memory_space<smem>>
      %neg3A = arith.constant 0.000000e+00 : f32
      %neg3A_91 = arith.subf %neg3A, %reduce_sum3A_88 : f32
      %exp3A = math.exp %neg3A_91 : f32
      %add3A_92 = arith.addf %get3A_90, %exp3A : f32
      %swap3A_93 = arith.constant 0 : index
      %swap3A_94 = memref.load %arg10[%swap3A_93] : memref<1xf32, #tpu.memory_space<smem>>
      memref.store %add3A_92, %arg10[%swap3A_93] : memref<1xf32, #tpu.memory_space<smem>>
      %eq3A_95 = arith.constant 3 : i32
      %eq3A_96 = arith.cmpi eq, %arg0, %eq3A_95 : i32
      %convert_element_type3A_97 = arith.extui %eq3A_96 : i1 to i32
      %cond3A_98 = arith.constant 0 : i32
      %cond3A_99 = arith.cmpi ne, %convert_element_type3A_97, %cond3A_98 : i32
      scf.if %cond3A_99 {
        %get3A_100 = arith.constant 0 : index
        %get3A_101 = memref.load %arg10[%get3A_100] : memref<1xf32, #tpu.memory_space<smem>>
        %mul3A_102 = arith.constant 2.500000e-01 : f32
        %mul3A_103 = arith.mulf %get3A_101, %mul3A_102 : f32
        %broadcast_in_dim3A_104 = vector.broadcast %mul3A_103 : f32 to vector<1x1xf32>
        %swap3A_105 = arith.constant 0 : index
        %swap3A_106 = arith.constant 0 : index
        %swap3A_107 = vector.load %arg8[%swap3A_105, %swap3A_106] : memref<1x1xf32, #tpu.memory_space<vmem>>, vector<1x1xf32>
        tpu.vector_store %arg8[%swap3A_105, %swap3A_106], %broadcast_in_dim3A_104 {strides = array<i32>} : memref<1x1xf32, #tpu.memory_space<vmem>>, vector<1x1xf32>,
      } else {
      }
    } else {
    }
    return
  }
  func.func @transform_0(%arg0: i32, %arg1: i32, %arg2: i32) -> (i32, i32, i32, i32) {
    %c0_i32 = arith.constant 0 : i32
    %c0_i32_0 = arith.constant 0 : i32
    return %arg1, %arg0, %c0_i32, %arg2 : i32, i32, i32, i32
  }
  func.func @transform_1(%arg0: i32, %arg1: i32, %arg2: i32) -> (i32, i32, i32) {
    %c0_i32 = arith.constant 0 : i32
    %c0_i32_0 = arith.constant 0 : i32
    %c0_i32_1 = arith.constant 0 : i32
    return %arg0, %c0_i32, %c0_i32_0 : i32, i32, i32
  }
  func.func @transform_2(%arg0: i32, %arg1: i32, %arg2: i32) -> (i32, i32, i32) {
    %c0_i32 = arith.constant 0 : i32
    %c0_i32_0 = arith.constant 0 : i32
    %c0_i32_1 = arith.constant 0 : i32
    return %arg0, %c0_i32, %c0_i32_0 : i32, i32, i32
  }
  func.func @transform_3(%arg0: i32, %arg1: i32, %arg2: i32) -> (i32, i32, i32) {
    %mul3A = arith.constant 2 : i32
    %mul3A_0 = arith.muli %arg1, %mul3A : i32
    %add3A = arith.addi %mul3A_0, %arg2 : i32
    %c0_i32 = arith.constant 0 : i32
    %c0_i32_1 = arith.constant 0 : i32
    return %arg0, %add3A, %c0_i32 : i32, i32, i32
  }
  func.func @transform_4(%arg0: i32, %arg1: i32, %arg2: i32) -> (i32, i32, i32) {
    %mul3A = arith.constant 4 : i32
    %mul3A_0 = arith.muli %arg0, %mul3A : i32
    %add3A = arith.addi %mul3A_0, %arg1 : i32
    %mul3A_1 = arith.constant 2 : i32
    %mul3A_2 = arith.muli %add3A, %mul3A_1 : i32
    %add3A_3 = arith.addi %mul3A_2, %arg2 : i32
    %c0_i32 = arith.constant 0 : i32
    %c0_i32_4 = arith.constant 0 : i32
    %c0_i32_5 = arith.constant 0 : i32
    return %add3A_3, %c0_i32, %c0_i32_4 : i32, i32, i32
  }
  func.func @transform_5(%arg0: i32, %arg1: i32, %arg2: i32) -> (i32, i32) {
    %c0_i32 = arith.constant 0 : i32
    %c0_i32_0 = arith.constant 0 : i32
    %c0_i32_1 = arith.constant 0 : i32
    return %c0_i32, %c0_i32_0 : i32, i32
  }
}

</mosaic_0001>

<sc_bundles>
// kernel: kernel.4.cloned.1.call-start
scs
__scs_entry_jumppad:
0x0: {  	(pc) =	sbr.rel $0x88, $3  }
0x1: {  	(tag) =	ssettag $0x0;
	lr =	simm.s32 $0x1  }
0x2: {  	[smem:$0x3F9F] =	sst lr;
	_ =	strace $0xD0000000  }
0x3: {  	_ = 	snop  }
0x4: {  	_ = 	snop  }
0x5: {  	_ = 	snop  }
0x6: {  	_ = 	snop  }
0x7: {  	_ = 	snop  }
__scs_overlays_trampoline_lowered:
0x8: {  	[smem:$0x3FAE] =	sst s0  }
0x9: {  	[smem:$0x3FAF] =	sst s1  }
0xa: {  	[smem:$0x3FB0] =	sst s2  }
0xb: {  	[smem:$0x3FB1] =	sst s3  }
0xc: {  	[smem:$0x3FB2] =	sst s4  }
0xd: {  	[smem:$0x3FB3] =	sst s5  }
0xe: {  	[smem:$0x3FB4] =	sst s6  }
0xf: {  	[smem:$0x3FB5] =	sst s7  }
0x10: {  	[smem:$0x3FB6] =	sst s8  }
0x11: {  	[smem:$0x3FB7] =	sst s9;
	s0 =	simm.s32 @!p0 $0x0  }
0x12: {  	s1 =	sld [smem:$0x3F9D];
	s0 =	simm.s32 @p0 $0x1  }
0x13: {  	[smem:$0x3FB8] =	sst s0;
	s0 =	simm.s32 @!p1 $0x0  }
0x14: {  	s2 =	sld [smem:$0x3F9C];
	s0 =	simm.s32 @p1 $0x1  }
0x15: {  	[smem:$0x3FB9] =	sst s0;
	s0 =	simm.s32 @!p2 $0x0  }
0x16: {  	s3 =	sld [smem:$0x3FDB];
	s0 =	simm.s32 @p2 $0x1  }
0x17: {  	s4 =	simm.s32 $0x1BF5;
	[smem:$0x3FBB] =	sst s0  }
0x18: {  	s0 =	sld [smem:$0x3F9E];
	_ =	swait.ge [sflag:s4], $0x0  }
0x19: {  	s7 =	sld [smem:$0x3F9F]  }
0x1a: {  	s8 =	sadd.s32 $0xFFFFE003, lr  }
0x1b: {  	s9 =	sadd.s32 $0xFFFFFEF7, lr;
	s5 =	simm.s32 $0xFFFFFFFF;
	p2 =	slt.u32 s8, $0xFFFFF086  }
0x1c: {  	p1 =	slt.u32 s9, $0xF7A;
	s5 =	simm.s32 @!p2 $0x0  }
0x1d: {  	s5 =	simm.s32 @p1 $0x1;
	p0 =	seq.s32 s7, s2  }
0x1e: {  	s7 =	smul.u32 @!p0 $0xF7A, s2;
	p2 =	seq.s32 @!p0 s5, $0x0  }
0x1f: {  	s9 =	smul.u32 $0xF7A, s1;
	s8 =	simm.s32 @!p0 $0x1BF5;
	p2 =	por !p2, p0  }
0x20: {  	[sflag:s8] =	ssyncset.s32 @!p0 $0xFFFFF086;
	s6 =	sadd.s32 @!p0 s3, s7;
	s7 =	simm.s32 @!p0 $0x108  }
0x21: {  	s3 =	sadd.s32 s3, s9;
	s6 =	sadd.s32 @!p0 $0x88, s6;
	s7 =	simm.s32 @p2 $0x1082  }
0x22: {  	[simem:s7], [sflag:s8] =	dma.local @!p0 [hbm:s6], $0xF7A  }
0x23: {  	s9 =	sor.u32 $0xD0000000, s2;
	s6 =	simm.s32 $0x108;
	_ =	swait.ge @!p0 [sflag:s8], $0x0  }
0x24: {  	s3 =	sadd.s32 $0x88, s3;
	s6 =	simm.s32 @!p1 $0x1082;
	[sflag:s4] =	ssyncset.s32 $0xFFFFF086  }
0x25: {  	[simem:s6], [sflag:s4] =	dma.local [hbm:s3], $0xF7A  }
0x26: {  	[smem:$0x3F9F] =	sst s1;
	(tag) =	ssettag s2;
	_ =	strace s9  }
0x27: {  	s1 =	sld [smem:$0x3FAF]  }
0x28: {  	s2 =	sld [smem:$0x3FB0]  }
0x29: {  	s4 =	sld [smem:$0x3FB2]  }
0x2a: {  	p0 =	seq.s32 s5, $0x0;
	s5 =	sld [smem:$0x3FB3]  }
0x2b: {  	s6 =	sld [smem:$0x3FB4]  }
0x2c: {  	s7 =	sld [smem:$0x3FB5]  }
0x2d: {  	s3 =	simm.s32 $0x108;
	s8 =	sld [smem:$0x3FB6]  }
0x2e: {  	s3 =	simm.s32 @!p0 $0x1082;
	s9 =	sld [smem:$0x3FB7]  }
0x2f: {  	lr =	sadd.s32 s0, s3;
	s0 =	sld [smem:$0x3FAE]  }
0x30: {  	s3 =	sld [smem:$0x3FB1]  }
0x31: {  	[smem:$0x3FBA] =	sst s10  }
0x32: {  	s10 =	sld [smem:$0x3FB8];
	_ =	sdelay $0x3  }
0x33: {  	p0 =	seq.s32 s10, $0x1;
	s10 =	sld [smem:$0x3FBA];
	_ =	sdelay $0x3  }
0x34: {  	[smem:$0x3FBA] =	sst s10  }
0x35: {  	s10 =	sld [smem:$0x3FB9];
	_ =	sdelay $0x3  }
0x36: {  	p1 =	seq.s32 s10, $0x1;
	s10 =	sld [smem:$0x3FBA];
	_ =	sdelay $0x3  }
0x37: {  	[smem:$0x3FBA] =	sst s10  }
0x38: {  	s10 =	sld [smem:$0x3FBB]  }
0x39: {  	_ = 	snop;
	(pc) =	sbr.ind lr, $3  }
0x3a: {  	_ = 	snop  }
0x3b: {  	_ = 	snop  }
0x3c: {  	p2 =	seq.s32 s10, $0x1;
	s10 =	sld [smem:$0x3FBA]  }
0x3d: {  	_ =	shalt  }
0x3e: {  	_ =	shalt  }
0x3f: {  	_ =	shalt  }
0x40: {  	_ =	shalt  }
0x41: {  	_ =	shalt  }
0x42: {  	_ =	shalt  }
0x43: {  	_ =	shalt  }
0x44: {  	_ =	shalt  }
0x45: {  	_ =	shalt  }
0x46: {  	_ =	shalt  }
0x47: {  	_ =	shalt  }
0x48: {  	_ =	shalt  }
0x49: {  	_ =	shalt  }
0x4a: {  	_ =	shalt  }
0x4b: {  	_ =	shalt  }
0x4c: {  	_ =	shalt  }
0x4d: {  	_ =	shalt  }
0x4e: {  	_ =	shalt  }
0x4f: {  	_ =	shalt  }
0x50: {  	_ =	shalt  }
0x51: {  	_ =	shalt  }
0x52: {  	_ =	shalt  }
0x53: {  	_ =	shalt  }
0x54: {  	_ =	shalt  }
0x55: {  	_ =	shalt  }
0x56: {  	_ =	shalt  }
0x57: {  	_ =	shalt  }
0x58: {  	_ =	shalt  }
0x59: {  	_ =	shalt  }
0x5a: {  	_ =	shalt  }
0x5b: {  	_ =	shalt  }
0x5c: {  	_ =	shalt  }
0x5d: {  	_ =	shalt  }
0x5e: {  	_ =	shalt  }
0x5f: {  	_ =	shalt  }
0x60: {  	_ =	shalt  }
0x61: {  	_ =	shalt  }
0x62: {  	_ =	shalt  }
0x63: {  	_ =	shalt  }
0x64: {  	_ =	shalt  }
0x65: {  	_ =	shalt  }
0x66: {  	_ =	shalt  }
0x67: {  	_ =	shalt  }
0x68: {  	_ =	shalt  }
0x69: {  	_ =	shalt  }
0x6a: {  	_ =	shalt  }
0x6b: {  	_ =	shalt  }
0x6c: {  	_ =	shalt  }
0x6d: {  	_ =	shalt  }
0x6e: {  	_ =	shalt  }
0x6f: {  	_ =	shalt  }
0x70: {  	_ =	shalt  }
0x71: {  	_ =	shalt  }
0x72: {  	_ =	shalt  }
0x73: {  	_ =	shalt  }
0x74: {  	_ =	shalt  }
0x75: {  	_ =	shalt  }
0x76: {  	_ =	shalt  }
0x77: {  	_ =	shalt  }
0x78: {  	_ =	shalt  }
0x79: {  	_ =	shalt  }
0x7a: {  	_ =	shalt  }
0x7b: {  	_ =	shalt  }
0x7c: {  	_ =	shalt  }
0x7d: {  	_ =	shalt  }
0x7e: {  	_ =	shalt  }
0x7f: {  	_ =	shalt  }
0x80: {  	_ =	shalt  }
0x81: {  	_ =	shalt  }
0x82: {  	_ =	shalt  }
0x83: {  	_ =	shalt  }
0x84: {  	_ =	shalt  }
0x85: {  	_ =	shalt  }
0x86: {  	_ =	shalt  }
0x87: {  	_ =	shalt  }
.Lfunc_end0:
.L_simem_size_0:
called_computation_lowered:
.L_overlay_start_0:
0x88: {  	s2 =	sld [smem:$0x3FD9]  }
0x89: {  	s3 =	sld [smem:$0x3FFE];
	_ =	sdelay $0x1  }
0x8a: {  	s1 =	srdreg.scid  }
0x8b: {  	s0 =	sand.u32 $0x1, s1  }
0x8c: {  	s14 =	sshll.u32 s0, $0xA;
	s2 =	sadd.s32 s3, s2  }
0x8d: {  	s2 =	sadd.s32 s2, s14  }
0x8e: {  	[smem:$0x3FC6] =	sst s2  }
0x8f: {  	_ = 	snop  }
0x90: {  	s2 =	sld [smem:$0x3FD0];
	_ =	sdelay $0x2  }
0x91: {  	s15 =	simm.s32 $0xA;
	s4 =	simm.s32 $0x10  }
0x92: {  	[smem:s4], [sflag:s15] =	dma.local [hbm:s2], $0x1  }
0x93: {  	_ =	swait.eq [sflag:s15], $0x1  }
0x94: {  	[sflag:s15] =	ssyncset.done $0x0  }
0x95: {  	[sflag:s15] =	ssyncadd.s32 $0xFFFFFFFF  }
0x96: {  	s16 =	sld [smem:$0x10];
	(tm) =	ssettm $0x1  }
0x97: {  	s17 =	sld [smem:$0x3FFB];
	_ =	sdelay $0x3  }
0x98: {  	_ =	strace s17  }
0x99: {  	s3 =	sld [smem:$0x3FFC];
	_ =	sdelay $0x3  }
0x9a: {  	_ =	strace s3  }
0x9b: {  	s3 =	sld [smem:$0x3FFD];
	_ =	sdelay $0x3  }
0x9c: {  	_ =	strace s3  }
0x9d: {  	_ =	strace $0x8FFFFFFF  }
0x9e: {  	s18 =	sld [smem:$0x3FDB];
	_ =	sdelay $0x1  }
0x9f: {  	s19 =	simm.s32 $_scs_section_size  }
0xa0: {  	s5 =	simm.s32 $_size__tile_overlayer_lowered;
	s6 =	simm.s32 $_tile_overlayer_lowered  }
0xa1: {  	s22 =	simm.s32 $0x1BFF;
	s21 =	sshll.u32 s6, $0x1;
	s3 =	sadd.s32 s19, s18  }
0xa2: {  	s7 =	simm.s32 $0x0;
	s20 =	sshll.u32 s5, $0x1;
	s5 =	sadd.s32 s21, s3  }
0xa3: {  	[timem:s7], [sflag:s22] =	dma.local [hbm:s5], s20  }
0xa4: {  	_ =	swait.ge [sflag:s22], s20  }
0xa5: {  	s4 =	ssub.s32 $0x0, s20;
	[sflag:s22] =	ssyncset.done $0x0  }
0xa6: {  	[sflag:s22] =	ssyncadd.s32 s4;
	_ =	sdelay $0x1  }
0xa7: {  	s23 =	simm.s32 $0x1B8B  }
0xa8: {  	_ =	swait.ge [sflag:s23], $0x1  }
0xa9: {  	[sflag:s23] =	ssyncset.done $0x0  }
0xaa: {  	s25 =	simm.s32 $0x1B8E;
	s24 =	sld [smem:$0x3FFE];
	[sflag:s23] =	ssyncadd.s32 $0xFFFFFFFF  }
0xab: {  	s26 =	simm.s32 $execute0_lowered;
	[smem:$0x3FD2] =	sst s25  }
0xac: {  	s5 =	sshll.u32 s26, $0x1;
	_ =	strace $0x80000046;
	[dreg:$0x1] =	wrdreg $0xFFFFFFFF  }
0xad: {  	s28 =	simm.s32 $_size_execute0_lowered;
	s3 =	sadd.s32 s3, s5;
	[dreg:$0x0] =	wrdreg $0x0  }
0xae: {  	s5 =	sshll.u32 s28, $0x1;
	[dreg:$0x2] =	wrdreg s3  }
0xaf: {  	[dreg:$0x3] =	wrdreg s5  }
0xb0: {  	[dreg:$0x4] =	wrdreg $0xC0  }
0xb1: {  	_ =	task [dreg:s7], $0x5FFFF  }
0xb2: {  	[dreg:$0x1] =	wrdreg $0xFFFFFFFF  }
0xb3: {  	[dreg:$0x0] =	wrdreg $0x60  }
0xb4: {  	[dreg:$0x2] =	wrdreg s16  }
0xb5: {  	[dreg:$0x3] =	wrdreg s24  }
0xb6: {  	[dreg:$0x4] =	wrdreg $0x9  }
0xb7: {  	_ =	task.clear_ibuf [dreg:s7], $0x5FFFF;
	_ =	strace $0x90000046  }
0xb8: {  	s29 =	simm.s32 $0x9;
	_ =	strace $0x80000048  }
0xb9: {  	_ =	swait.ge [sflag:s29], $0x1  }
0xba: {  	[sflag:s29] =	ssyncadd.s32 $0xFFFFFFFF  }
0xbb: {  	_ =	strace $0x90000048  }
0xbc: {  	_ =	sfence  }
0xbd: {  	s30 =	sld [smem:$0x0];
	_ =	sdelay $0x2  }
0xbe: {  	s31 =	sshll.u32 s1, $0xD;
	s1 =	sshrl.u32 s1, $0x2  }
0xbf: {  	s3 =	sand.u32 $0x4000, s31;
	s1 =	sadd.s32 s1, s30  }
0xc0: {  	s0 =	sor.u32 s3, s0;
	s1 =	sshll.u32 s1, $0x11  }
0xc1: {  	s0 =	sor.u32 s1, s0  }
0xc2: {  	s0 =	sadd.s32 $0x8F2B, s0  }
0xc3: {  	[sflag:s0] =	ssyncadd.remote.s32 $0x1  }
0xc4: {  	_ =	sfence.sel $0xFFFF  }
0xc5: {  	[dreg:$0x0] =	wrdreg $0xFFFFFFFF;
	(pc) =	sbr.abs _section_cstart, $3  }
0xc6: {  	[dreg:$0x1] =	wrdreg $0xFFFFFFFF  }
0xc7: {  	_ =	task.clear_ibuf [dreg:s7], $0x2FFFF;
	_ =	strace $0x9FFFFFFF  }
0xc8: {  	(tm) =	ssettm $0x7FFFFFFF  }
0xc9: {  	_ =	shalt  }
tec
execute0_lowered:
.L_overlay_start_1:
0x0: {  	(tag) =	ssettag $0x1  }
0x1: {  	s1 =	srdreg.scid  }
0x2: {  	s2 =	rddreg [dreg:$0x0];
	s0 =	stileid.u32;
	s14 =	sand.u32 $0x1, s1  }
0x3: {  	s8 =	rddreg [dreg:$0x1];
	s4 =	sshll.u32 s0, $0xC;
	s5 =	sshll.u32 s14, $0xB  }
0x4: {  	s3 =	simm.s32 $0x0;
	s1 =	rddreg [dreg:$0x2];
	s13 =	sor.u32 s5, s4  }
0x5: {  	[smem:$0x7FF] =	sst s3;
	s15 =	sadd.s32 $0x1600, s8;
	s4 =	sshrl.u32 s13, $0x3  }
0x6: {  	_ =	strace $0x80000047;
	s5 =	sadd.s32 s15, s4;
	s4 =	simm.s32 $0x2  }
0x7: {  	[tilespmem:s3], [sflag:$0x2] =	stream.linear.gather [hbm4b:s5+s3], $0x200, $0x38;
	[tilespmem:$0x10200] =	vst v63  }
0x8: {  	_ =	swait.ge [sflag:s4], $0x200  }
0x9: {  	[sflag:s4] =	ssyncset.done $0x0  }
0xa: {  	s6 =	simm.s32 $0x200;
	s7 =	simm.s32 $0x1;
	[sflag:s4] =	ssyncadd.s32 $0xFFFFFE00  }
0xb: {  	[tilespmem:s6], [sflag:$0x1] =	stream.indirect.gather [hbm4b:s2+s6], $0x80, s3, s6, $0xb8;
	[tilespmem:$0x10200] =	vst v63  }
0xc: {  	_ =	swait.ge [sflag:s7], $0x10000  }
0xd: {  	s16 =	sadd.s32 $0x3600, s8;
	s29 =	sshll.u32 s13, $0x4;
	[sflag:s7] =	ssyncset.done $0x0  }
0xe: {  	s8 =	sadd.s32 s16, s29;
	[sflag:s7] =	ssyncadd.s32 $0xFFFF0000  }
0xf: {  	[hbm4b:s8+s3] =	stream.linear.scatter [tilespmem:s6], [sflag:$0x2], $0x10000, $0x38;
	[tilespmem:$0x10200] =	vst v63  }
0x10: {  	s10 =	sor.u32 $0x200, s13;
	_ =	swait.ge [sflag:s4], $0x10000  }
0x11: {  	s9 =	sshrl.u32 s10, $0x3;
	[sflag:s4] =	ssyncset.done $0x0  }
0x12: {  	s9 =	sadd.s32 s15, s9;
	[sflag:s4] =	ssyncadd.s32 $0xFFFF0000  }
0x13: {  	[tilespmem:s3], [sflag:$0x2] =	stream.linear.gather [hbm4b:s9+s3], $0x200, $0x38;
	[tilespmem:$0x10200] =	vst v63  }
0x14: {  	_ =	swait.ge [sflag:s4], $0x200  }
0x15: {  	[sflag:s4] =	ssyncset.done $0x0  }
0x16: {  	[sflag:s4] =	ssyncadd.s32 $0xFFFFFE00  }
0x17: {  	[tilespmem:s6], [sflag:$0x1] =	stream.indirect.gather [hbm4b:s2+s6], $0x80, s3, s6, $0xb8;
	[tilespmem:$0x10200] =	vst v63  }
0x18: {  	_ =	swait.ge [sflag:s7], $0x10000  }
0x19: {  	s10 =	sshll.u32 s10, $0x4;
	[sflag:s7] =	ssyncset.done $0x0  }
0x1a: {  	s10 =	sadd.s32 s16, s10;
	[sflag:s7] =	ssyncadd.s32 $0xFFFF0000  }
0x1b: {  	[hbm4b:s10+s3] =	stream.linear.scatter [tilespmem:s6], [sflag:$0x2], $0x10000, $0x38;
	[tilespmem:$0x10200] =	vst v63  }
0x1c: {  	s12 =	sor.u32 $0x400, s13;
	_ =	swait.ge [sflag:s4], $0x10000  }
0x1d: {  	s11 =	sshrl.u32 s12, $0x3;
	[sflag:s4] =	ssyncset.done $0x0  }
0x1e: {  	s11 =	sadd.s32 s15, s11;
	[sflag:s4] =	ssyncadd.s32 $0xFFFF0000  }
0x1f: {  	[tilespmem:s3], [sflag:$0x2] =	stream.linear.gather [hbm4b:s11+s3], $0x200, $0x38;
	[tilespmem:$0x10200] =	vst v63  }
0x20: {  	_ =	swait.ge [sflag:s4], $0x200  }
0x21: {  	[sflag:s4] =	ssyncset.done $0x0  }
0x22: {  	[sflag:s4] =	ssyncadd.s32 $0xFFFFFE00  }
0x23: {  	[tilespmem:s6], [sflag:$0x1] =	stream.indirect.gather [hbm4b:s2+s6], $0x80, s3, s6, $0xb8;
	[tilespmem:$0x10200] =	vst v63  }
0x24: {  	_ =	swait.ge [sflag:s7], $0x10000  }
0x25: {  	s12 =	sshll.u32 s12, $0x4;
	[sflag:s7] =	ssyncset.done $0x0  }
0x26: {  	s12 =	sadd.s32 s16, s12;
	[sflag:s7] =	ssyncadd.s32 $0xFFFF0000  }
0x27: {  	[hbm4b:s12+s3] =	stream.linear.scatter [tilespmem:s6], [sflag:$0x2], $0x10000, $0x38;
	[tilespmem:$0x10200] =	vst v63  }
0x28: {  	s17 =	sor.u32 $0x600, s13;
	_ =	swait.ge [sflag:s4], $0x10000  }
0x29: {  	s13 =	sshrl.u32 s17, $0x3;
	[sflag:s4] =	ssyncset.done $0x0  }
0x2a: {  	s14 =	ssub.s32 $0x2, s14;
	s13 =	sadd.s32 s15, s13;
	[sflag:s4] =	ssyncadd.s32 $0xFFFF0000  }
0x2b: {  	[tilespmem:s3], [sflag:$0x2] =	stream.linear.gather [hbm4b:s13+s3], $0x200, $0x38;
	[tilespmem:$0x10200] =	vst v63  }
0x2c: {  	s30 =	sshrl.u32 s14, $0x1;
	_ =	swait.ge [sflag:s4], $0x200  }
0x2d: {  	s15 =	ssub.s32 s14, s30;
	[sflag:s4] =	ssyncset.done $0x0  }
0x2e: {  	s15 =	smax.u32 s15, $0x1;
	[sflag:s4] =	ssyncadd.s32 $0xFFFFFE00  }
0x2f: {  	[tilespmem:s6], [sflag:$0x1] =	stream.indirect.gather [hbm4b:s2+s6], $0x80, s3, s6, $0xb8;
	[tilespmem:$0x10200] =	vst v63  }
0x30: {  	p0 =	sne.s32 s15, $0x1;
	_ =	swait.ge [sflag:s7], $0x10000  }
.Ltmp0:
0x31: {  	s31 =	sshll.u32 s17, $0x4;
	[sflag:s7] =	ssyncset.done $0x0;
	(pc) =	sbr.rel @!p0 .LBB2_2-.Ltmp0, $4  }
0x32: {  	s14 =	sadd.s32 s16, s31;
	[sflag:s7] =	ssyncadd.s32 $0xFFFF0000  }
0x33: {  	[hbm4b:s14+s3] =	stream.linear.scatter [tilespmem:s6], [sflag:$0x2], $0x10000, $0x38;
	[tilespmem:$0x10200] =	vst v63  }
0x34: {  	_ =	swait.ge [sflag:s4], $0x10000  }
0x35: {  	s15 =	sadd.s32 $0xFFFFFFFF, s15;
	[sflag:s4] =	ssyncset.done $0x0  }
.LBB2_1:
0x36: {  	p0 =	sne.s32 s15, $0x1;
	s15 =	sadd.s32 $0xFFFFFFFF, s15;
	[sflag:s4] =	ssyncadd.s32 $0xFFFF0000  }
0x37: {  	[tilespmem:s3], [sflag:$0x2] =	stream.linear.gather [hbm4b:s5+s3], $0x200, $0x38;
	[tilespmem:$0x10200] =	vst v63  }
0x38: {  	_ =	swait.ge [sflag:s4], $0x200  }
0x39: {  	[sflag:s4] =	ssyncset.done $0x0  }
0x3a: {  	[sflag:s4] =	ssyncadd.s32 $0xFFFFFE00  }
0x3b: {  	[tilespmem:s6], [sflag:$0x1] =	stream.indirect.gather [hbm4b:s2+s6], $0x80, s3, s6, $0xb8;
	[tilespmem:$0x10200] =	vst v63  }
0x3c: {  	_ =	swait.ge [sflag:s7], $0x10000  }
0x3d: {  	[sflag:s7] =	ssyncset.done $0x0  }
0x3e: {  	[sflag:s7] =	ssyncadd.s32 $0xFFFF0000  }
0x3f: {  	[hbm4b:s8+s3] =	stream.linear.scatter [tilespmem:s6], [sflag:$0x2], $0x10000, $0x38;
	[tilespmem:$0x10200] =	vst v63  }
0x40: {  	_ =	swait.ge [sflag:s4], $0x10000  }
0x41: {  	[sflag:s4] =	ssyncset.done $0x0  }
0x42: {  	[sflag:s4] =	ssyncadd.s32 $0xFFFF0000  }
0x43: {  	[tilespmem:s3], [sflag:$0x2] =	stream.linear.gather [hbm4b:s9+s3], $0x200, $0x38;
	[tilespmem:$0x10200] =	vst v63  }
0x44: {  	_ =	swait.ge [sflag:s4], $0x200  }
0x45: {  	[sflag:s4] =	ssyncset.done $0x0  }
0x46: {  	[sflag:s4] =	ssyncadd.s32 $0xFFFFFE00  }
0x47: {  	[tilespmem:s6], [sflag:$0x1] =	stream.indirect.gather [hbm4b:s2+s6], $0x80, s3, s6, $0xb8;
	[tilespmem:$0x10200] =	vst v63  }
0x48: {  	_ =	swait.ge [sflag:s7], $0x10000  }
0x49: {  	[sflag:s7] =	ssyncset.done $0x0  }
0x4a: {  	[sflag:s7] =	ssyncadd.s32 $0xFFFF0000  }
0x4b: {  	[hbm4b:s10+s3] =	stream.linear.scatter [tilespmem:s6], [sflag:$0x2], $0x10000, $0x38;
	[tilespmem:$0x10200] =	vst v63  }
0x4c: {  	_ =	swait.ge [sflag:s4], $0x10000  }
0x4d: {  	[sflag:s4] =	ssyncset.done $0x0  }
0x4e: {  	[sflag:s4] =	ssyncadd.s32 $0xFFFF0000  }
0x4f: {  	[tilespmem:s3], [sflag:$0x2] =	stream.linear.gather [hbm4b:s11+s3], $0x200, $0x38;
	[tilespmem:$0x10200] =	vst v63  }
0x50: {  	_ =	swait.ge [sflag:s4], $0x200  }
0x51: {  	[sflag:s4] =	ssyncset.done $0x0  }
0x52: {  	[sflag:s4] =	ssyncadd.s32 $0xFFFFFE00  }
0x53: {  	[tilespmem:s6], [sflag:$0x1] =	stream.indirect.gather [hbm4b:s2+s6], $0x80, s3, s6, $0xb8;
	[tilespmem:$0x10200] =	vst v63  }
0x54: {  	_ =	swait.ge [sflag:s7], $0x10000  }
0x55: {  	[sflag:s7] =	ssyncset.done $0x0  }
0x56: {  	[sflag:s7] =	ssyncadd.s32 $0xFFFF0000  }
0x57: {  	[hbm4b:s12+s3] =	stream.linear.scatter [tilespmem:s6], [sflag:$0x2], $0x10000, $0x38;
	[tilespmem:$0x10200] =	vst v63  }
0x58: {  	_ =	swait.ge [sflag:s4], $0x10000  }
0x59: {  	[sflag:s4] =	ssyncset.done $0x0  }
0x5a: {  	[sflag:s4] =	ssyncadd.s32 $0xFFFF0000  }
0x5b: {  	[tilespmem:s3], [sflag:$0x2] =	stream.linear.gather [hbm4b:s13+s3], $0x200, $0x38;
	[tilespmem:$0x10200] =	vst v63  }
0x5c: {  	_ =	swait.ge [sflag:s4], $0x200  }
0x5d: {  	[sflag:s4] =	ssyncset.done $0x0  }
0x5e: {  	[sflag:s4] =	ssyncadd.s32 $0xFFFFFE00  }
0x5f: {  	[tilespmem:s6], [sflag:$0x1] =	stream.indirect.gather [hbm4b:s2+s6], $0x80, s3, s6, $0xb8;
	[tilespmem:$0x10200] =	vst v63  }
0x60: {  	_ =	swait.ge [sflag:s7], $0x10000  }
.Ltmp1:
0x61: {  	[sflag:s7] =	ssyncset.done $0x0;
	(pc) =	sbr.rel @p0 .LBB2_1-.Ltmp1, $4  }
0x62: {  	[sflag:s7] =	ssyncadd.s32 $0xFFFF0000  }
0x63: {  	[hbm4b:s14+s3] =	stream.linear.scatter [tilespmem:s6], [sflag:$0x2], $0x10000, $0x38;
	[tilespmem:$0x10200] =	vst v63  }
0x64: {  	_ =	swait.ge [sflag:s4], $0x10000  }
0x65: {  	[sflag:s4] =	ssyncset.done $0x0  }
.LBB2_2:
0x66: {  	[sflag:s4] =	ssyncadd.s32 $0xFFFF0000  }
0x67: {  	_ =	sfence.sel $0x180000  }
0x68: {  	[bflag:$0x0] =	sbarrier.arrive $0xFFFF  }
0x69: {  	p0 =	sne.s32 s0, $0x0;
	_ =	strace $0x90000047  }
0x6a: {  	s0 =	sadd.s32 @!p0 $0x100000, s1;
	[bflag:$0x2] =	sbarrier.arrive $0xFFFF  }
0x6b: {  	[sflag:s0] =	ssyncadd.tile.s32 @!p0 $0x1;
	_ =	shalt  }
.Lfunc_end2:
_tile_overlayer_lowered:
.L_overlay_start_2:
0x6c: {  	(tag) =	ssettag $0x2  }
0x6d: {  	s0 =	rddreg [dreg:$0x0];
	s2 =	stileid.u32  }
0x6e: {  	s1 =	rddreg [dreg:$0x1];
	p0 =	sne.s32 s2, $0x0  }
0x6f: {  	s3 =	rddreg [dreg:$0x2];
	[bflag:$0x3] =	sbarrier.arrive $0xFFFF;
	s2 =	simm.s32 @!p0 $0x1C02  }
0x70: {  	[timem:s3], [sflag:s2] =	dma.local @!p0 [hbm:s0], s1  }
0x71: {  	s0 =	simm.s32 @!p0 $0x2  }
0x72: {  	_ =	swait.ge @!p0 [sflag:s0], s1  }
0x73: {  	s1 =	ssub.s32 @!p0 $0x0, s1;
	[sflag:s0] =	ssyncset.done @!p0 $0x0  }
0x74: {  	[sflag:s0] =	ssyncadd.s32 @!p0 s1  }
0x75: {  	[bflag:$0x3] =	sbarrier.arrive $0xFFFF  }
0x76: {  	_ =	shalt  }

</sc_bundles>
